<compile_context>
chip_gen: v7x
topology: tpu7x:2x2x1
jax: 0.10.2.dev20260603
libtpu: 0.0.44.dev20260713+nightly
codegen_flags: <defaults>
</compile_context>

<pallas_src>
import functools
import math

import jax
import jax.numpy as jnp
from jax import lax
from jax.experimental import pallas as pl
from jax.experimental.pallas import tpu as pltpu
from jax.experimental.pallas import tpu_sc as plsc

_NC = 2
_NS = 16
_NW = _NC * _NS

_IDX_W = 128


def _gather_sc(ids_flat, lut, sub_chunks):
    n_tok = ids_flat.shape[0]
    d = lut.shape[1]
    per_w = n_tok // _NW
    chunk = sub_chunks * _IDX_W
    n_chunks = per_w // chunk
    assert n_chunks * chunk == per_w
    ids2 = ids_flat.reshape(n_tok // _IDX_W, _IDX_W)

    mesh = plsc.VectorSubcoreMesh(core_axis_name="c", subcore_axis_name="s")

    @functools.partial(
        pl.kernel,
        mesh=mesh,
        out_type=jax.ShapeDtypeStruct((n_tok, 2 * d), jnp.float32),
        scratch_types=[
            pltpu.VMEM((sub_chunks, _IDX_W), jnp.int32),
            pltpu.VMEM((chunk, d), jnp.float32),
            pltpu.SemaphoreType.DMA,
        ],
        compiler_params=pltpu.CompilerParams(use_tc_tiling_on_sc=False),
    )
    def gather_kernel(ids_hbm, lut_hbm, out_hbm, idx_v, rows_v, sem):
        wid = lax.axis_index("s") * _NC + lax.axis_index("c")
        base = wid * per_w
        base_row = wid * (per_w // _IDX_W)

        def body(j, carry):
            off = base + j * chunk
            pltpu.sync_copy(
                ids_hbm.at[pl.ds(base_row + j * sub_chunks, sub_chunks)],
                idx_v,
            )
            copies = [
                pltpu.async_copy(
                    lut_hbm.at[idx_v.at[k]],
                    rows_v.at[pl.ds(k * _IDX_W, _IDX_W)],
                    sem,
                )
                for k in range(sub_chunks)
            ]
            for cp in copies:
                cp.wait()
            pltpu.sync_copy(rows_v, out_hbm.at[pl.ds(off, chunk), pl.ds(0, d)])
            return carry

        lax.fori_loop(0, n_chunks, body, 0)

    return gather_kernel(ids2, lut)


def _pack_lut(lut, v_block):
    d, v = lut.shape[1], lut.shape[0]
    lut_t = jnp.transpose(lut, (1, 0))
    grid = (v + v_block - 1) // v_block

    def pack_kernel(t_ref, o_ref):
        tt = jnp.transpose(t_ref[...], (1, 0))
        ttr = tt.reshape(v_block // 2, 2, d)
        o_ref[...] = jnp.concatenate([ttr[:, 0, :], ttr[:, 1, :]], axis=1)

    packed = pl.pallas_call(
        pack_kernel,
        grid=(grid,),
        in_specs=[pl.BlockSpec((d, v_block), lambda i: (0, i))],
        out_specs=pl.BlockSpec((v_block // 2, 2 * d), lambda i: (i, 0)),
        out_shape=jax.ShapeDtypeStruct((v // 2, 2 * d), jnp.float32),
    )(lut_t)
    return packed.reshape(v, d)


def _sent_tc(sent_repr, w_merge, b_col):
    batch, d = sent_repr.shape
    scale = math.sqrt(d)

    def sent_kernel(s_ref, w_ref, b_ref, o_ref):
        wt = w_ref[...] * scale
        y = jax.lax.dot_general(
            s_ref[...], wt, (((1,), (0,)), ((), ())),
            preferred_element_type=jnp.float32,
        )
        o_ref[...] = jnp.transpose(y, (1, 0)) + b_ref[...]

    return pl.pallas_call(
        sent_kernel,
        in_specs=[
            pl.BlockSpec((batch, d), lambda: (0, 0)),
            pl.BlockSpec((d, d), lambda: (0, 0)),
            pl.BlockSpec((d, 1), lambda: (0, 0)),
        ],
        out_specs=pl.BlockSpec((d, batch), lambda: (0, 0)),
        out_shape=jax.ShapeDtypeStruct((d, batch), jnp.float32),
    )(sent_repr, w_merge, b_col)


def _merge_tc(gathered_w, smT, w_merge, batch, total_seq, l_off, l_block,
              carry=None):
    n_tok, two_d = gathered_w.shape
    d = two_d // 2
    seq_h = n_tok // batch
    grid = seq_h // l_block
    off_blk = l_off // l_block
    scale = math.sqrt(d)

    def merge_kernel(g_ref, s_ref, w_ref, *rest):
        o_ref = rest[-1]
        wb = w_ref[...] * scale
        smt = s_ref[...]
        for j in range(l_block):
            g = g_ref[pl.ds(j * batch, batch), :][:, :d]
            y = jax.lax.dot_general(
                g, wb, (((1,), (0,)), ((), ())),
                preferred_element_type=jnp.float32,
            )
            o_ref[pl.ds(j * d, d), :] = jnp.transpose(y, (1, 0)) + smt

    in_specs = [
        pl.BlockSpec((l_block * batch, two_d), lambda i: (i, 0)),
        pl.BlockSpec((d, batch), lambda i: (0, 0)),
        pl.BlockSpec((d, d), lambda i: (0, 0)),
    ]
    args = [gathered_w, smT, w_merge[d:, :]]
    aliases = {}
    if carry is not None:
        in_specs.append(pl.BlockSpec(memory_space=pl.ANY))
        args.append(carry)
        aliases = {3: 0}

    return pl.pallas_call(
        merge_kernel,
        grid=(grid,),
        in_specs=in_specs,
        out_specs=pl.BlockSpec(
            (l_block * d, batch), lambda i, off_blk=off_blk: (i + off_blk, 0)
        ),
        out_shape=jax.ShapeDtypeStruct((total_seq * d, batch), jnp.float32),
        input_output_aliases=aliases,
    )(*args)


def kernel(word_ids, sent_repr, lut, W_merge, b_merge):
    batch, seq = word_ids.shape
    d = lut.shape[1]
    ids_t = jnp.transpose(word_ids, (1, 0)).reshape(-1).astype(jnp.int32)
    table = _pack_lut(lut, v_block=8192)
    smT = _sent_tc(sent_repr, W_merge[:d, :], b_merge.reshape(d, 1))
    gathered_w = _gather_sc(ids_t, table, sub_chunks=8)
    out2d = _merge_tc(gathered_w, smT, W_merge, batch, seq, l_off=0, l_block=4)
    return jnp.transpose(out2d.reshape(seq, d, batch), (2, 0, 1))

# --- scband reference (transcript-rebuilt; emitter-appended) ---
"""Pipeline reference for scband-membeddings-7619271983167 (READ-ONLY COPY).

The authoritative reference and input builder live on the scoring server;
editing this copy changes nothing except your own understanding.
"""

import jax, jax.numpy as jnp
import numpy as np
import math

VOCAB = 1000000
D_MODEL = 64
BATCH = 4096
MAX_LEN = 200
PAD_IDX = 0

def setup_inputs(seed: int = 0) -> dict:
    key = jax.random.key(seed)
    k1, k2, k3, k4, k5 = jax.random.split(key, 5)
    word_ids = jax.random.randint(k1, (BATCH, MAX_LEN), 0, VOCAB, dtype=jnp.int64 if jax.config.jax_enable_x64 else jnp.int32)
    sent_repr = jax.random.normal(k2, (BATCH, D_MODEL), dtype=jnp.float32)
    lut = jax.random.normal(k3, (VOCAB, D_MODEL), dtype=jnp.float32) * 0.02
    # padding_idx row is zero (and stays zero, as torch initializes it to zero)
    lut = lut.at[PAD_IDX].set(0.0)
    # merge: Linear(2*d_model, d_model). Store W as [2d, d] so y = x @ W + b
    bound = 1.0 / math.sqrt(2 * D_MODEL)
    W_merge = jax.random.uniform(k4, (2 * D_MODEL, D_MODEL), minval=-bound, maxval=bound, dtype=jnp.float32)
    b_merge = jax.random.uniform(k5, (D_MODEL,), minval=-bound, maxval=bound, dtype=jnp.float32)
    return {"word_ids": word_ids, "sent_repr": sent_repr, "lut": lut, "W_merge": W_merge, "b_merge": b_merge}

def reference(word_ids, sent_repr, lut, W_merge, b_merge):
    scaler = math.sqrt(D_MODEL)
    batch, max_len = word_ids.shape
    embs = jnp.take(lut, word_ids, axis=0) * scaler              # [B, L, d]
    sent = sent_repr * scaler                                    # [B, d]
    sent = jnp.broadcast_to(sent[:, None, :], (batch, max_len, D_MODEL))
    concatd = jnp.concatenate([sent, embs], axis=-1)             # [B, L, 2d]
    merged = concatd @ W_merge + b_merge                          # [B, L, d]
    return merged

if __name__ == "__main__":
    import jax
    _d = setup_inputs()
    print(jax.jit(kernel)(*tuple(_d.values())))

</pallas_src>

<mosaic_0001>
#map = affine_map<(d0, d1) -> (0, 0)>
module attributes {stable_mosaic.version = 14 : i64} {
  func.func @gather_kernel(%arg0: i32, %arg1: i32, %arg2: memref<6400x128xi32, #tpu.memory_space<hbm>>, %arg3: memref<1000000x64xf32, #tpu.memory_space<hbm>>, %arg4: memref<819200x128xf32, #tpu.memory_space<hbm>>, %arg5: memref<8x128xi32, #tpu.memory_space<vmem>>, %arg6: memref<1024x64xf32, #tpu.memory_space<vmem>>, %arg7: memref<!tpu.dma_semaphore, #tpu.memory_space<semaphore_mem>>) attributes {dimension_semantics = [#tpu.dimension_semantics<core_parallel>, #tpu.dimension_semantics<subcore_parallel>], iteration_bounds = array<i64: 2, 16>, scalar_prefetch = 0 : i64, scratch_operands = 3 : i64, tpu.core_type = #tpu.core_type<sc_vector_subcore>, window_params = [{transform_indices = #map}, {transform_indices = #map}, {transform_indices = #map}]} {
    %mul3A = arith.constant 2 : i32
    %mul3A_0 = arith.muli %arg1, %mul3A : i32
    %add3A = arith.addi %mul3A_0, %arg0 : i32
    %mul3A_1 = arith.constant 25600 : i32
    %mul3A_2 = arith.muli %add3A, %mul3A_1 : i32
    %mul3A_3 = arith.constant 200 : i32
    %mul3A_4 = arith.muli %add3A, %mul3A_3 : i32
    %scan3A = arith.constant 0 : i32
    %scan3A_5 = arith.constant 0 : i32
    %scan3A_6 = arith.constant 25 : i32
    %scan3A_7 = arith.addi %scan3A_5, %scan3A_6 : i32
    %scan3A_8 = arith.constant 1 : i32
    scf.for %scan3A_10 = %scan3A_5 to %scan3A_7 step %scan3A_8  : i32 {
      %mul3A_11 = arith.constant 1024 : i32
      %mul3A_12 = arith.muli %scan3A_10, %mul3A_11 : i32
      %add3A_13 = arith.addi %mul3A_2, %mul3A_12 : i32
      %mul3A_14 = arith.constant 8 : i32
      %mul3A_15 = arith.muli %scan3A_10, %mul3A_14 : i32
      %add3A_16 = arith.addi %mul3A_4, %mul3A_15 : i32
      "tpu.region"() ({
        %run_scoped3A = tpu.sem_alloc : memref<!tpu.dma_semaphore, #tpu.memory_space<semaphore_mem>>
        %dma_start3A_175 = arith.constant 0 : i32
        %dma_start3A_176 = tpu.memref_slice %arg2[%add3A_16, %dma_start3A_175] : memref<6400x128xi32, #tpu.memory_space<hbm>> -> memref<8x128xi32, #tpu.memory_space<hbm>>
        %dma_start3A_177 = arith.constant 0 : i32
        %dma_start3A_178 = tpu.memref_slice %arg2[%add3A_16, %dma_start3A_177] : memref<6400x128xi32, #tpu.memory_space<hbm>> -> memref<8x128xi32, #tpu.memory_space<hbm>>
        tpu.enqueue_dma source(%dma_start3A_178 : memref<8x128xi32, #tpu.memory_space<hbm>>) target(%arg5 : memref<8x128xi32, #tpu.memory_space<vmem>>) target_semaphore(%run_scoped3A : memref<!tpu.dma_semaphore, #tpu.memory_space<semaphore_mem>>)
        %dma_wait3A_179 = arith.constant 0 : i32
        %dma_wait3A_180 = tpu.memref_slice %arg2[%add3A_16, %dma_wait3A_179] : memref<6400x128xi32, #tpu.memory_space<hbm>> -> memref<8x128xi32, #tpu.memory_space<hbm>>
        %dma_wait3A_181 = arith.constant 0 : i32
        %dma_wait3A_182 = tpu.memref_slice %arg2[%add3A_16, %dma_wait3A_181] : memref<6400x128xi32, #tpu.memory_space<hbm>> -> memref<8x128xi32, #tpu.memory_space<hbm>>
        tpu.wait_dma2 semaphore(%run_scoped3A : memref<!tpu.dma_semaphore, #tpu.memory_space<semaphore_mem>>) src(%dma_wait3A_182 : memref<8x128xi32, #tpu.memory_space<hbm>>) dst(%arg5 : memref<8x128xi32, #tpu.memory_space<vmem>>)
        tpu.yield
      }) : () -> ()
      %dma_start3A = arith.constant 0 : i32
      %dma_start3A_17 = arith.constant 0 : i32
      %dma_start3A_18 = arith.constant 0 : i32
      %dma_start3A_19 = tpu.memref_slice %arg6[%dma_start3A_17, %dma_start3A_18] : memref<1024x64xf32, #tpu.memory_space<vmem>> -> memref<128x64xf32, #tpu.memory_space<vmem>>
      %dma_start3A_20 = arith.constant 0 : i32
      %dma_start3A_21 = tpu.memref_slice %arg5[%dma_start3A, %dma_start3A_20] : memref<8x128xi32, #tpu.memory_space<vmem>> -> memref<1x128xi32, #tpu.memory_space<vmem>>
      %dma_start3A_22 = tpu.memref_squeeze %dma_start3A_21 : memref<1x128xi32, #tpu.memory_space<vmem>> -> memref<128xi32, #tpu.memory_space<vmem>>
      %dma_start3A_23 = arith.constant 0 : i32
      %dma_start3A_24 = arith.constant 0 : i32
      %dma_start3A_25 = tpu.memref_slice %arg3[%dma_start3A_23, %dma_start3A_24] : memref<1000000x64xf32, #tpu.memory_space<hbm>> -> memref<1000000x64xf32, #tpu.memory_space<hbm>>
      tpu.enqueue_indirect_dma source(%dma_start3A_25 : memref<1000000x64xf32, #tpu.memory_space<hbm>>) target(%dma_start3A_19 : memref<128x64xf32, #tpu.memory_space<vmem>>) offsets(%dma_start3A_22 : memref<128xi32, #tpu.memory_space<vmem>>) semaphore(%arg7 : memref<!tpu.dma_semaphore, #tpu.memory_space<semaphore_mem>>)
      %dma_start3A_26 = arith.constant 1 : i32
      %dma_start3A_27 = arith.constant 128 : i32
      %dma_start3A_28 = arith.constant 0 : i32
      %dma_start3A_29 = tpu.memref_slice %arg6[%dma_start3A_27, %dma_start3A_28] : memref<1024x64xf32, #tpu.memory_space<vmem>> -> memref<128x64xf32, #tpu.memory_space<vmem>>
      %dma_start3A_30 = arith.constant 0 : i32
      %dma_start3A_31 = tpu.memref_slice %arg5[%dma_start3A_26, %dma_start3A_30] : memref<8x128xi32, #tpu.memory_space<vmem>> -> memref<1x128xi32, #tpu.memory_space<vmem>>
      %dma_start3A_32 = tpu.memref_squeeze %dma_start3A_31 : memref<1x128xi32, #tpu.memory_space<vmem>> -> memref<128xi32, #tpu.memory_space<vmem>>
      %dma_start3A_33 = arith.constant 0 : i32
      %dma_start3A_34 = arith.constant 0 : i32
      %dma_start3A_35 = tpu.memref_slice %arg3[%dma_start3A_33, %dma_start3A_34] : memref<1000000x64xf32, #tpu.memory_space<hbm>> -> memref<1000000x64xf32, #tpu.memory_space<hbm>>
      tpu.enqueue_indirect_dma source(%dma_start3A_35 : memref<1000000x64xf32, #tpu.memory_space<hbm>>) target(%dma_start3A_29 : memref<128x64xf32, #tpu.memory_space<vmem>>) offsets(%dma_start3A_32 : memref<128xi32, #tpu.memory_space<vmem>>) semaphore(%arg7 : memref<!tpu.dma_semaphore, #tpu.memory_space<semaphore_mem>>)
      %dma_start3A_36 = arith.constant 2 : i32
      %dma_start3A_37 = arith.constant 256 : i32
      %dma_start3A_38 = arith.constant 0 : i32
      %dma_start3A_39 = tpu.memref_slice %arg6[%dma_start3A_37, %dma_start3A_38] : memref<1024x64xf32, #tpu.memory_space<vmem>> -> memref<128x64xf32, #tpu.memory_space<vmem>>
      %dma_start3A_40 = arith.constant 0 : i32
      %dma_start3A_41 = tpu.memref_slice %arg5[%dma_start3A_36, %dma_start3A_40] : memref<8x128xi32, #tpu.memory_space<vmem>> -> memref<1x128xi32, #tpu.memory_space<vmem>>
      %dma_start3A_42 = tpu.memref_squeeze %dma_start3A_41 : memref<1x128xi32, #tpu.memory_space<vmem>> -> memref<128xi32, #tpu.memory_space<vmem>>
      %dma_start3A_43 = arith.constant 0 : i32
      %dma_start3A_44 = arith.constant 0 : i32
      %dma_start3A_45 = tpu.memref_slice %arg3[%dma_start3A_43, %dma_start3A_44] : memref<1000000x64xf32, #tpu.memory_space<hbm>> -> memref<1000000x64xf32, #tpu.memory_space<hbm>>
      tpu.enqueue_indirect_dma source(%dma_start3A_45 : memref<1000000x64xf32, #tpu.memory_space<hbm>>) target(%dma_start3A_39 : memref<128x64xf32, #tpu.memory_space<vmem>>) offsets(%dma_start3A_42 : memref<128xi32, #tpu.memory_space<vmem>>) semaphore(%arg7 : memref<!tpu.dma_semaphore, #tpu.memory_space<semaphore_mem>>)
      %dma_start3A_46 = arith.constant 3 : i32
      %dma_start3A_47 = arith.constant 384 : i32
      %dma_start3A_48 = arith.constant 0 : i32
      %dma_start3A_49 = tpu.memref_slice %arg6[%dma_start3A_47, %dma_start3A_48] : memref<1024x64xf32, #tpu.memory_space<vmem>> -> memref<128x64xf32, #tpu.memory_space<vmem>>
      %dma_start3A_50 = arith.constant 0 : i32
      %dma_start3A_51 = tpu.memref_slice %arg5[%dma_start3A_46, %dma_start3A_50] : memref<8x128xi32, #tpu.memory_space<vmem>> -> memref<1x128xi32, #tpu.memory_space<vmem>>
      %dma_start3A_52 = tpu.memref_squeeze %dma_start3A_51 : memref<1x128xi32, #tpu.memory_space<vmem>> -> memref<128xi32, #tpu.memory_space<vmem>>
      %dma_start3A_53 = arith.constant 0 : i32
      %dma_start3A_54 = arith.constant 0 : i32
      %dma_start3A_55 = tpu.memref_slice %arg3[%dma_start3A_53, %dma_start3A_54] : memref<1000000x64xf32, #tpu.memory_space<hbm>> -> memref<1000000x64xf32, #tpu.memory_space<hbm>>
      tpu.enqueue_indirect_dma source(%dma_start3A_55 : memref<1000000x64xf32, #tpu.memory_space<hbm>>) target(%dma_start3A_49 : memref<128x64xf32, #tpu.memory_space<vmem>>) offsets(%dma_start3A_52 : memref<128xi32, #tpu.memory_space<vmem>>) semaphore(%arg7 : memref<!tpu.dma_semaphore, #tpu.memory_space<semaphore_mem>>)
      %dma_start3A_56 = arith.constant 4 : i32
      %dma_start3A_57 = arith.constant 512 : i32
      %dma_start3A_58 = arith.constant 0 : i32
      %dma_start3A_59 = tpu.memref_slice %arg6[%dma_start3A_57, %dma_start3A_58] : memref<1024x64xf32, #tpu.memory_space<vmem>> -> memref<128x64xf32, #tpu.memory_space<vmem>>
      %dma_start3A_60 = arith.constant 0 : i32
      %dma_start3A_61 = tpu.memref_slice %arg5[%dma_start3A_56, %dma_start3A_60] : memref<8x128xi32, #tpu.memory_space<vmem>> -> memref<1x128xi32, #tpu.memory_space<vmem>>
      %dma_start3A_62 = tpu.memref_squeeze %dma_start3A_61 : memref<1x128xi32, #tpu.memory_space<vmem>> -> memref<128xi32, #tpu.memory_space<vmem>>
      %dma_start3A_63 = arith.constant 0 : i32
      %dma_start3A_64 = arith.constant 0 : i32
      %dma_start3A_65 = tpu.memref_slice %arg3[%dma_start3A_63, %dma_start3A_64] : memref<1000000x64xf32, #tpu.memory_space<hbm>> -> memref<1000000x64xf32, #tpu.memory_space<hbm>>
      tpu.enqueue_indirect_dma source(%dma_start3A_65 : memref<1000000x64xf32, #tpu.memory_space<hbm>>) target(%dma_start3A_59 : memref<128x64xf32, #tpu.memory_space<vmem>>) offsets(%dma_start3A_62 : memref<128xi32, #tpu.memory_space<vmem>>) semaphore(%arg7 : memref<!tpu.dma_semaphore, #tpu.memory_space<semaphore_mem>>)
      %dma_start3A_66 = arith.constant 5 : i32
      %dma_start3A_67 = arith.constant 640 : i32
      %dma_start3A_68 = arith.constant 0 : i32
      %dma_start3A_69 = tpu.memref_slice %arg6[%dma_start3A_67, %dma_start3A_68] : memref<1024x64xf32, #tpu.memory_space<vmem>> -> memref<128x64xf32, #tpu.memory_space<vmem>>
      %dma_start3A_70 = arith.constant 0 : i32
      %dma_start3A_71 = tpu.memref_slice %arg5[%dma_start3A_66, %dma_start3A_70] : memref<8x128xi32, #tpu.memory_space<vmem>> -> memref<1x128xi32, #tpu.memory_space<vmem>>
      %dma_start3A_72 = tpu.memref_squeeze %dma_start3A_71 : memref<1x128xi32, #tpu.memory_space<vmem>> -> memref<128xi32, #tpu.memory_space<vmem>>
      %dma_start3A_73 = arith.constant 0 : i32
      %dma_start3A_74 = arith.constant 0 : i32
      %dma_start3A_75 = tpu.memref_slice %arg3[%dma_start3A_73, %dma_start3A_74] : memref<1000000x64xf32, #tpu.memory_space<hbm>> -> memref<1000000x64xf32, #tpu.memory_space<hbm>>
      tpu.enqueue_indirect_dma source(%dma_start3A_75 : memref<1000000x64xf32, #tpu.memory_space<hbm>>) target(%dma_start3A_69 : memref<128x64xf32, #tpu.memory_space<vmem>>) offsets(%dma_start3A_72 : memref<128xi32, #tpu.memory_space<vmem>>) semaphore(%arg7 : memref<!tpu.dma_semaphore, #tpu.memory_space<semaphore_mem>>)
      %dma_start3A_76 = arith.constant 6 : i32
      %dma_start3A_77 = arith.constant 768 : i32
      %dma_start3A_78 = arith.constant 0 : i32
      %dma_start3A_79 = tpu.memref_slice %arg6[%dma_start3A_77, %dma_start3A_78] : memref<1024x64xf32, #tpu.memory_space<vmem>> -> memref<128x64xf32, #tpu.memory_space<vmem>>
      %dma_start3A_80 = arith.constant 0 : i32
      %dma_start3A_81 = tpu.memref_slice %arg5[%dma_start3A_76, %dma_start3A_80] : memref<8x128xi32, #tpu.memory_space<vmem>> -> memref<1x128xi32, #tpu.memory_space<vmem>>
      %dma_start3A_82 = tpu.memref_squeeze %dma_start3A_81 : memref<1x128xi32, #tpu.memory_space<vmem>> -> memref<128xi32, #tpu.memory_space<vmem>>
      %dma_start3A_83 = arith.constant 0 : i32
      %dma_start3A_84 = arith.constant 0 : i32
      %dma_start3A_85 = tpu.memref_slice %arg3[%dma_start3A_83, %dma_start3A_84] : memref<1000000x64xf32, #tpu.memory_space<hbm>> -> memref<1000000x64xf32, #tpu.memory_space<hbm>>
      tpu.enqueue_indirect_dma source(%dma_start3A_85 : memref<1000000x64xf32, #tpu.memory_space<hbm>>) target(%dma_start3A_79 : memref<128x64xf32, #tpu.memory_space<vmem>>) offsets(%dma_start3A_82 : memref<128xi32, #tpu.memory_space<vmem>>) semaphore(%arg7 : memref<!tpu.dma_semaphore, #tpu.memory_space<semaphore_mem>>)
      %dma_start3A_86 = arith.constant 7 : i32
      %dma_start3A_87 = arith.constant 896 : i32
      %dma_start3A_88 = arith.constant 0 : i32
      %dma_start3A_89 = tpu.memref_slice %arg6[%dma_start3A_87, %dma_start3A_88] : memref<1024x64xf32, #tpu.memory_space<vmem>> -> memref<128x64xf32, #tpu.memory_space<vmem>>
      %dma_start3A_90 = arith.constant 0 : i32
      %dma_start3A_91 = tpu.memref_slice %arg5[%dma_start3A_86, %dma_start3A_90] : memref<8x128xi32, #tpu.memory_space<vmem>> -> memref<1x128xi32, #tpu.memory_space<vmem>>
      %dma_start3A_92 = tpu.memref_squeeze %dma_start3A_91 : memref<1x128xi32, #tpu.memory_space<vmem>> -> memref<128xi32, #tpu.memory_space<vmem>>
      %dma_start3A_93 = arith.constant 0 : i32
      %dma_start3A_94 = arith.constant 0 : i32
      %dma_start3A_95 = tpu.memref_slice %arg3[%dma_start3A_93, %dma_start3A_94] : memref<1000000x64xf32, #tpu.memory_space<hbm>> -> memref<1000000x64xf32, #tpu.memory_space<hbm>>
      tpu.enqueue_indirect_dma source(%dma_start3A_95 : memref<1000000x64xf32, #tpu.memory_space<hbm>>) target(%dma_start3A_89 : memref<128x64xf32, #tpu.memory_space<vmem>>) offsets(%dma_start3A_92 : memref<128xi32, #tpu.memory_space<vmem>>) semaphore(%arg7 : memref<!tpu.dma_semaphore, #tpu.memory_space<semaphore_mem>>)
      %dma_wait3A = arith.constant 0 : i32
      %dma_wait3A_96 = arith.constant 0 : i32
      %dma_wait3A_97 = arith.constant 0 : i32
      %dma_wait3A_98 = tpu.memref_slice %arg6[%dma_wait3A_96, %dma_wait3A_97] : memref<1024x64xf32, #tpu.memory_space<vmem>> -> memref<128x64xf32, #tpu.memory_space<vmem>>
      %dma_wait3A_99 = arith.constant 0 : i32
      %dma_wait3A_100 = tpu.memref_slice %arg5[%dma_wait3A, %dma_wait3A_99] : memref<8x128xi32, #tpu.memory_space<vmem>> -> memref<1x128xi32, #tpu.memory_space<vmem>>
      %dma_wait3A_101 = tpu.memref_squeeze %dma_wait3A_100 : memref<1x128xi32, #tpu.memory_space<vmem>> -> memref<128xi32, #tpu.memory_space<vmem>>
      %dma_wait3A_102 = arith.constant 0 : i32
      %dma_wait3A_103 = arith.constant 0 : i32
      %dma_wait3A_104 = tpu.memref_slice %arg3[%dma_wait3A_102, %dma_wait3A_103] : memref<1000000x64xf32, #tpu.memory_space<hbm>> -> memref<1000000x64xf32, #tpu.memory_space<hbm>>
      tpu.wait_indirect_dma semaphore(%arg7 : memref<!tpu.dma_semaphore, #tpu.memory_space<semaphore_mem>>) src(%dma_wait3A_104 : memref<1000000x64xf32, #tpu.memory_space<hbm>>) dst(%dma_wait3A_98 : memref<128x64xf32, #tpu.memory_space<vmem>>)
      %dma_wait3A_105 = arith.constant 1 : i32
      %dma_wait3A_106 = arith.constant 128 : i32
      %dma_wait3A_107 = arith.constant 0 : i32
      %dma_wait3A_108 = tpu.memref_slice %arg6[%dma_wait3A_106, %dma_wait3A_107] : memref<1024x64xf32, #tpu.memory_space<vmem>> -> memref<128x64xf32, #tpu.memory_space<vmem>>
      %dma_wait3A_109 = arith.constant 0 : i32
      %dma_wait3A_110 = tpu.memref_slice %arg5[%dma_wait3A_105, %dma_wait3A_109] : memref<8x128xi32, #tpu.memory_space<vmem>> -> memref<1x128xi32, #tpu.memory_space<vmem>>
      %dma_wait3A_111 = tpu.memref_squeeze %dma_wait3A_110 : memref<1x128xi32, #tpu.memory_space<vmem>> -> memref<128xi32, #tpu.memory_space<vmem>>
      %dma_wait3A_112 = arith.constant 0 : i32
      %dma_wait3A_113 = arith.constant 0 : i32
      %dma_wait3A_114 = tpu.memref_slice %arg3[%dma_wait3A_112, %dma_wait3A_113] : memref<1000000x64xf32, #tpu.memory_space<hbm>> -> memref<1000000x64xf32, #tpu.memory_space<hbm>>
      tpu.wait_indirect_dma semaphore(%arg7 : memref<!tpu.dma_semaphore, #tpu.memory_space<semaphore_mem>>) src(%dma_wait3A_114 : memref<1000000x64xf32, #tpu.memory_space<hbm>>) dst(%dma_wait3A_108 : memref<128x64xf32, #tpu.memory_space<vmem>>)
      %dma_wait3A_115 = arith.constant 2 : i32
      %dma_wait3A_116 = arith.constant 256 : i32
      %dma_wait3A_117 = arith.constant 0 : i32
      %dma_wait3A_118 = tpu.memref_slice %arg6[%dma_wait3A_116, %dma_wait3A_117] : memref<1024x64xf32, #tpu.memory_space<vmem>> -> memref<128x64xf32, #tpu.memory_space<vmem>>
      %dma_wait3A_119 = arith.constant 0 : i32
      %dma_wait3A_120 = tpu.memref_slice %arg5[%dma_wait3A_115, %dma_wait3A_119] : memref<8x128xi32, #tpu.memory_space<vmem>> -> memref<1x128xi32, #tpu.memory_space<vmem>>
      %dma_wait3A_121 = tpu.memref_squeeze %dma_wait3A_120 : memref<1x128xi32, #tpu.memory_space<vmem>> -> memref<128xi32, #tpu.memory_space<vmem>>
      %dma_wait3A_122 = arith.constant 0 : i32
      %dma_wait3A_123 = arith.constant 0 : i32
      %dma_wait3A_124 = tpu.memref_slice %arg3[%dma_wait3A_122, %dma_wait3A_123] : memref<1000000x64xf32, #tpu.memory_space<hbm>> -> memref<1000000x64xf32, #tpu.memory_space<hbm>>
      tpu.wait_indirect_dma semaphore(%arg7 : memref<!tpu.dma_semaphore, #tpu.memory_space<semaphore_mem>>) src(%dma_wait3A_124 : memref<1000000x64xf32, #tpu.memory_space<hbm>>) dst(%dma_wait3A_118 : memref<128x64xf32, #tpu.memory_space<vmem>>)
      %dma_wait3A_125 = arith.constant 3 : i32
      %dma_wait3A_126 = arith.constant 384 : i32
      %dma_wait3A_127 = arith.constant 0 : i32
      %dma_wait3A_128 = tpu.memref_slice %arg6[%dma_wait3A_126, %dma_wait3A_127] : memref<1024x64xf32, #tpu.memory_space<vmem>> -> memref<128x64xf32, #tpu.memory_space<vmem>>
      %dma_wait3A_129 = arith.constant 0 : i32
      %dma_wait3A_130 = tpu.memref_slice %arg5[%dma_wait3A_125, %dma_wait3A_129] : memref<8x128xi32, #tpu.memory_space<vmem>> -> memref<1x128xi32, #tpu.memory_space<vmem>>
      %dma_wait3A_131 = tpu.memref_squeeze %dma_wait3A_130 : memref<1x128xi32, #tpu.memory_space<vmem>> -> memref<128xi32, #tpu.memory_space<vmem>>
      %dma_wait3A_132 = arith.constant 0 : i32
      %dma_wait3A_133 = arith.constant 0 : i32
      %dma_wait3A_134 = tpu.memref_slice %arg3[%dma_wait3A_132, %dma_wait3A_133] : memref<1000000x64xf32, #tpu.memory_space<hbm>> -> memref<1000000x64xf32, #tpu.memory_space<hbm>>
      tpu.wait_indirect_dma semaphore(%arg7 : memref<!tpu.dma_semaphore, #tpu.memory_space<semaphore_mem>>) src(%dma_wait3A_134 : memref<1000000x64xf32, #tpu.memory_space<hbm>>) dst(%dma_wait3A_128 : memref<128x64xf32, #tpu.memory_space<vmem>>)
      %dma_wait3A_135 = arith.constant 4 : i32
      %dma_wait3A_136 = arith.constant 512 : i32
      %dma_wait3A_137 = arith.constant 0 : i32
      %dma_wait3A_138 = tpu.memref_slice %arg6[%dma_wait3A_136, %dma_wait3A_137] : memref<1024x64xf32, #tpu.memory_space<vmem>> -> memref<128x64xf32, #tpu.memory_space<vmem>>
      %dma_wait3A_139 = arith.constant 0 : i32
      %dma_wait3A_140 = tpu.memref_slice %arg5[%dma_wait3A_135, %dma_wait3A_139] : memref<8x128xi32, #tpu.memory_space<vmem>> -> memref<1x128xi32, #tpu.memory_space<vmem>>
      %dma_wait3A_141 = tpu.memref_squeeze %dma_wait3A_140 : memref<1x128xi32, #tpu.memory_space<vmem>> -> memref<128xi32, #tpu.memory_space<vmem>>
      %dma_wait3A_142 = arith.constant 0 : i32
      %dma_wait3A_143 = arith.constant 0 : i32
      %dma_wait3A_144 = tpu.memref_slice %arg3[%dma_wait3A_142, %dma_wait3A_143] : memref<1000000x64xf32, #tpu.memory_space<hbm>> -> memref<1000000x64xf32, #tpu.memory_space<hbm>>
      tpu.wait_indirect_dma semaphore(%arg7 : memref<!tpu.dma_semaphore, #tpu.memory_space<semaphore_mem>>) src(%dma_wait3A_144 : memref<1000000x64xf32, #tpu.memory_space<hbm>>) dst(%dma_wait3A_138 : memref<128x64xf32, #tpu.memory_space<vmem>>)
      %dma_wait3A_145 = arith.constant 5 : i32
      %dma_wait3A_146 = arith.constant 640 : i32
      %dma_wait3A_147 = arith.constant 0 : i32
      %dma_wait3A_148 = tpu.memref_slice %arg6[%dma_wait3A_146, %dma_wait3A_147] : memref<1024x64xf32, #tpu.memory_space<vmem>> -> memref<128x64xf32, #tpu.memory_space<vmem>>
      %dma_wait3A_149 = arith.constant 0 : i32
      %dma_wait3A_150 = tpu.memref_slice %arg5[%dma_wait3A_145, %dma_wait3A_149] : memref<8x128xi32, #tpu.memory_space<vmem>> -> memref<1x128xi32, #tpu.memory_space<vmem>>
      %dma_wait3A_151 = tpu.memref_squeeze %dma_wait3A_150 : memref<1x128xi32, #tpu.memory_space<vmem>> -> memref<128xi32, #tpu.memory_space<vmem>>
      %dma_wait3A_152 = arith.constant 0 : i32
      %dma_wait3A_153 = arith.constant 0 : i32
      %dma_wait3A_154 = tpu.memref_slice %arg3[%dma_wait3A_152, %dma_wait3A_153] : memref<1000000x64xf32, #tpu.memory_space<hbm>> -> memref<1000000x64xf32, #tpu.memory_space<hbm>>
      tpu.wait_indirect_dma semaphore(%arg7 : memref<!tpu.dma_semaphore, #tpu.memory_space<semaphore_mem>>) src(%dma_wait3A_154 : memref<1000000x64xf32, #tpu.memory_space<hbm>>) dst(%dma_wait3A_148 : memref<128x64xf32, #tpu.memory_space<vmem>>)
      %dma_wait3A_155 = arith.constant 6 : i32
      %dma_wait3A_156 = arith.constant 768 : i32
      %dma_wait3A_157 = arith.constant 0 : i32
      %dma_wait3A_158 = tpu.memref_slice %arg6[%dma_wait3A_156, %dma_wait3A_157] : memref<1024x64xf32, #tpu.memory_space<vmem>> -> memref<128x64xf32, #tpu.memory_space<vmem>>
      %dma_wait3A_159 = arith.constant 0 : i32
      %dma_wait3A_160 = tpu.memref_slice %arg5[%dma_wait3A_155, %dma_wait3A_159] : memref<8x128xi32, #tpu.memory_space<vmem>> -> memref<1x128xi32, #tpu.memory_space<vmem>>
      %dma_wait3A_161 = tpu.memref_squeeze %dma_wait3A_160 : memref<1x128xi32, #tpu.memory_space<vmem>> -> memref<128xi32, #tpu.memory_space<vmem>>
      %dma_wait3A_162 = arith.constant 0 : i32
      %dma_wait3A_163 = arith.constant 0 : i32
      %dma_wait3A_164 = tpu.memref_slice %arg3[%dma_wait3A_162, %dma_wait3A_163] : memref<1000000x64xf32, #tpu.memory_space<hbm>> -> memref<1000000x64xf32, #tpu.memory_space<hbm>>
      tpu.wait_indirect_dma semaphore(%arg7 : memref<!tpu.dma_semaphore, #tpu.memory_space<semaphore_mem>>) src(%dma_wait3A_164 : memref<1000000x64xf32, #tpu.memory_space<hbm>>) dst(%dma_wait3A_158 : memref<128x64xf32, #tpu.memory_space<vmem>>)
      %dma_wait3A_165 = arith.constant 7 : i32
      %dma_wait3A_166 = arith.constant 896 : i32
      %dma_wait3A_167 = arith.constant 0 : i32
      %dma_wait3A_168 = tpu.memref_slice %arg6[%dma_wait3A_166, %dma_wait3A_167] : memref<1024x64xf32, #tpu.memory_space<vmem>> -> memref<128x64xf32, #tpu.memory_space<vmem>>
      %dma_wait3A_169 = arith.constant 0 : i32
      %dma_wait3A_170 = tpu.memref_slice %arg5[%dma_wait3A_165, %dma_wait3A_169] : memref<8x128xi32, #tpu.memory_space<vmem>> -> memref<1x128xi32, #tpu.memory_space<vmem>>
      %dma_wait3A_171 = tpu.memref_squeeze %dma_wait3A_170 : memref<1x128xi32, #tpu.memory_space<vmem>> -> memref<128xi32, #tpu.memory_space<vmem>>
      %dma_wait3A_172 = arith.constant 0 : i32
      %dma_wait3A_173 = arith.constant 0 : i32
      %dma_wait3A_174 = tpu.memref_slice %arg3[%dma_wait3A_172, %dma_wait3A_173] : memref<1000000x64xf32, #tpu.memory_space<hbm>> -> memref<1000000x64xf32, #tpu.memory_space<hbm>>
      tpu.wait_indirect_dma semaphore(%arg7 : memref<!tpu.dma_semaphore, #tpu.memory_space<semaphore_mem>>) src(%dma_wait3A_174 : memref<1000000x64xf32, #tpu.memory_space<hbm>>) dst(%dma_wait3A_168 : memref<128x64xf32, #tpu.memory_space<vmem>>)
      "tpu.region"() ({
        %run_scoped3A = tpu.sem_alloc : memref<!tpu.dma_semaphore, #tpu.memory_space<semaphore_mem>>
        %dma_start3A_175 = arith.constant 0 : i32
        %dma_start3A_176 = tpu.memref_slice %arg4[%add3A_13, %dma_start3A_175] : memref<819200x128xf32, #tpu.memory_space<hbm>> -> memref<1024x64xf32, #tpu.memory_space<hbm>>
        %dma_start3A_177 = arith.constant 0 : i32
        %dma_start3A_178 = tpu.memref_slice %arg4[%add3A_13, %dma_start3A_177] : memref<819200x128xf32, #tpu.memory_space<hbm>> -> memref<1024x64xf32, #tpu.memory_space<hbm>>
        tpu.enqueue_dma source(%arg6 : memref<1024x64xf32, #tpu.memory_space<vmem>>) target(%dma_start3A_178 : memref<1024x64xf32, #tpu.memory_space<hbm>>) target_semaphore(%run_scoped3A : memref<!tpu.dma_semaphore, #tpu.memory_space<semaphore_mem>>)
        %dma_wait3A_179 = arith.constant 0 : i32
        %dma_wait3A_180 = tpu.memref_slice %arg4[%add3A_13, %dma_wait3A_179] : memref<819200x128xf32, #tpu.memory_space<hbm>> -> memref<1024x64xf32, #tpu.memory_space<hbm>>
        %dma_wait3A_181 = arith.constant 0 : i32
        %dma_wait3A_182 = tpu.memref_slice %arg4[%add3A_13, %dma_wait3A_181] : memref<819200x128xf32, #tpu.memory_space<hbm>> -> memref<1024x64xf32, #tpu.memory_space<hbm>>
        tpu.wait_dma2 semaphore(%run_scoped3A : memref<!tpu.dma_semaphore, #tpu.memory_space<semaphore_mem>>) src(%arg6 : memref<1024x64xf32, #tpu.memory_space<vmem>>) dst(%dma_wait3A_182 : memref<1024x64xf32, #tpu.memory_space<hbm>>)
        tpu.yield
      }) : () -> ()
    }
    %scan3A_9 = arith.constant 25 : i32
    return
  }
}

module attributes {stable_mosaic.version = 14 : i64} {
  func.func @pack_kernel(%arg0: i32, %arg1: memref<64x8192xf32, #tpu.memory_space<vmem>>, %arg2: memref<4096x128xf32, #tpu.memory_space<vmem>>) attributes {dimension_semantics = [#tpu.dimension_semantics<arbitrary>], iteration_bounds = array<i64: 123>, scalar_prefetch = 0 : i64, scratch_operands = 0 : i64, tpu.core_type = #tpu.core_type<tc>, window_params = [{transform_indices = @transform_0, window_bounds = array<i64: 64, 8192>}, {transform_indices = @transform_1, window_bounds = array<i64: 4096, 128>}]} {
    %get3A = arith.constant 0 : index
    %get3A_0 = arith.constant 0 : index
    %get3A_1 = vector.load %arg1[%get3A, %get3A_0] : memref<64x8192xf32, #tpu.memory_space<vmem>>, vector<64x8192xf32>
    %transpose3A = tpu.transpose %get3A_1, [1, 0] : vector<64x8192xf32> -> vector<8192x64xf32>
    %reshape3A = vector.shape_cast %transpose3A : vector<8192x64xf32> to vector<4096x2x64xf32>
    %slice3A = vector.extract_strided_slice %reshape3A {offsets = [0, 0, 0], sizes = [4096, 1, 64], strides = [1, 1, 1]} : vector<4096x2x64xf32> to vector<4096x1x64xf32>
    %squeeze3A = vector.shape_cast %slice3A : vector<4096x1x64xf32> to vector<4096x64xf32>
    %slice3A_2 = vector.extract_strided_slice %reshape3A {offsets = [0, 1, 0], sizes = [4096, 1, 64], strides = [1, 1, 1]} : vector<4096x2x64xf32> to vector<4096x1x64xf32>
    %squeeze3A_3 = vector.shape_cast %slice3A_2 : vector<4096x1x64xf32> to vector<4096x64xf32>
    %concatenate3A = tpu.concatenate %squeeze3A, %squeeze3A_3 in 1 : vector<4096x64xf32>, vector<4096x64xf32> -> vector<4096x128xf32>
    %swap3A = arith.constant 0 : index
    %swap3A_4 = arith.constant 0 : index
    %swap3A_5 = vector.load %arg2[%swap3A, %swap3A_4] : memref<4096x128xf32, #tpu.memory_space<vmem>>, vector<4096x128xf32>
    tpu.vector_store %arg2[%swap3A, %swap3A_4], %concatenate3A {strides = array<i32>} : memref<4096x128xf32, #tpu.memory_space<vmem>>, vector<4096x128xf32>,
    return
  }
  func.func @transform_0(%arg0: i32) -> (i32, i32) {
    %c0_i32 = arith.constant 0 : i32
    %c0_i32_0 = arith.constant 0 : i32
    return %c0_i32, %arg0 : i32, i32
  }
  func.func @transform_1(%arg0: i32) -> (i32, i32) {
    %c0_i32 = arith.constant 0 : i32
    %c0_i32_0 = arith.constant 0 : i32
    return %arg0, %c0_i32 : i32, i32
  }
}

module attributes {stable_mosaic.version = 14 : i64} {
  func.func @sent_kernel(%arg0: memref<4096x64xf32, #tpu.memory_space<vmem>>, %arg1: memref<64x64xf32, #tpu.memory_space<vmem>>, %arg2: memref<64x1xf32, #tpu.memory_space<vmem>>, %arg3: memref<64x4096xf32, #tpu.memory_space<vmem>>) attributes {dimension_semantics = [], scalar_prefetch = 0 : i64, scratch_operands = 0 : i64, tpu.core_type = #tpu.core_type<tc>} {
    %get3A = arith.constant 0 : index
    %get3A_0 = arith.constant 0 : index
    %get3A_1 = vector.load %arg1[%get3A, %get3A_0] : memref<64x64xf32, #tpu.memory_space<vmem>>, vector<64x64xf32>
    %mul3A = arith.constant 8.000000e+00 : f32
    %mul3A_2 = vector.broadcast %mul3A : f32 to vector<64x64xf32>
    %mul3A_3 = arith.mulf %get3A_1, %mul3A_2 : vector<64x64xf32>
    %get3A_4 = arith.constant 0 : index
    %get3A_5 = arith.constant 0 : index
    %get3A_6 = vector.load %arg0[%get3A_4, %get3A_5] : memref<4096x64xf32, #tpu.memory_space<vmem>>, vector<4096x64xf32>
    %dot_general3A = arith.constant dense<0.000000e+00> : vector<4096x64xf32>
    %dot_general3A_7 = tpu.matmul %get3A_6, %mul3A_3, %dot_general3A {dimension_numbers = #tpu.dot_dimension_numbers<[1], [0], [0], [1], [0, 0, 1, 1], [], []>, transpose_lhs_hint = false} : vector<4096x64xf32>, vector<64x64xf32>, vector<4096x64xf32> -> vector<4096x64xf32>
    %transpose3A = tpu.transpose %dot_general3A_7, [1, 0] : vector<4096x64xf32> -> vector<64x4096xf32>
    %get3A_8 = arith.constant 0 : index
    %get3A_9 = arith.constant 0 : index
    %get3A_10 = vector.load %arg2[%get3A_8, %get3A_9] : memref<64x1xf32, #tpu.memory_space<vmem>>, vector<64x1xf32>
    %add3A = vector.broadcast %get3A_10 : vector<64x1xf32> to vector<64x4096xf32>
    %add3A_11 = arith.addf %transpose3A, %add3A : vector<64x4096xf32>
    %swap3A = arith.constant 0 : index
    %swap3A_12 = arith.constant 0 : index
    %swap3A_13 = vector.load %arg3[%swap3A, %swap3A_12] : memref<64x4096xf32, #tpu.memory_space<vmem>>, vector<64x4096xf32>
    tpu.vector_store %arg3[%swap3A, %swap3A_12], %add3A_11 {strides = array<i32>} : memref<64x4096xf32, #tpu.memory_space<vmem>>, vector<64x4096xf32>,
    return
  }
}

module attributes {stable_mosaic.version = 14 : i64} {
  func.func @merge_kernel(%arg0: i32, %arg1: memref<16384x128xf32, #tpu.memory_space<vmem>>, %arg2: memref<64x4096xf32, #tpu.memory_space<vmem>>, %arg3: memref<64x64xf32, #tpu.memory_space<vmem>>, %arg4: memref<256x4096xf32, #tpu.memory_space<vmem>>) attributes {dimension_semantics = [#tpu.dimension_semantics<arbitrary>], iteration_bounds = array<i64: 50>, scalar_prefetch = 0 : i64, scratch_operands = 0 : i64, tpu.core_type = #tpu.core_type<tc>, window_params = [{transform_indices = @transform_0, window_bounds = array<i64: 16384, 128>}, {pipeline_mode = #tpu.pipeline_mode<synchronous>, transform_indices = @transform_1, window_bounds = array<i64: 64, 4096>}, {pipeline_mode = #tpu.pipeline_mode<synchronous>, transform_indices = @transform_2, window_bounds = array<i64: 64, 64>}, {transform_indices = @transform_3, window_bounds = array<i64: 256, 4096>}]} {
    %get3A = arith.constant 0 : index
    %get3A_0 = arith.constant 0 : index
    %get3A_1 = vector.load %arg3[%get3A, %get3A_0] : memref<64x64xf32, #tpu.memory_space<vmem>>, vector<64x64xf32>
    %mul3A = arith.constant 8.000000e+00 : f32
    %mul3A_2 = vector.broadcast %mul3A : f32 to vector<64x64xf32>
    %mul3A_3 = arith.mulf %get3A_1, %mul3A_2 : vector<64x64xf32>
    %get3A_4 = arith.constant 0 : index
    %get3A_5 = arith.constant 0 : index
    %get3A_6 = vector.load %arg2[%get3A_4, %get3A_5] : memref<64x4096xf32, #tpu.memory_space<vmem>>, vector<64x4096xf32>
    %get3A_7 = arith.constant 0 : index
    %get3A_8 = arith.constant 0 : index
    %get3A_9 = vector.load %arg1[%get3A_7, %get3A_8] : memref<16384x128xf32, #tpu.memory_space<vmem>>, vector<4096x128xf32>
    %slice3A = vector.extract_strided_slice %get3A_9 {offsets = [0, 0], sizes = [4096, 64], strides = [1, 1]} : vector<4096x128xf32> to vector<4096x64xf32>
    %dot_general3A = arith.constant dense<0.000000e+00> : vector<4096x64xf32>
    %dot_general3A_10 = tpu.matmul %slice3A, %mul3A_3, %dot_general3A {dimension_numbers = #tpu.dot_dimension_numbers<[1], [0], [0], [1], [0, 0, 1, 1], [], []>, transpose_lhs_hint = false} : vector<4096x64xf32>, vector<64x64xf32>, vector<4096x64xf32> -> vector<4096x64xf32>
    %transpose3A = tpu.transpose %dot_general3A_10, [1, 0] : vector<4096x64xf32> -> vector<64x4096xf32>
    %add3A = arith.addf %transpose3A, %get3A_6 : vector<64x4096xf32>
    %swap3A = arith.constant 0 : index
    %swap3A_11 = arith.constant 0 : index
    %swap3A_12 = vector.load %arg4[%swap3A, %swap3A_11] : memref<256x4096xf32, #tpu.memory_space<vmem>>, vector<64x4096xf32>
    tpu.vector_store %arg4[%swap3A, %swap3A_11], %add3A {strides = array<i32>} : memref<256x4096xf32, #tpu.memory_space<vmem>>, vector<64x4096xf32>,
    %get3A_13 = arith.constant 4096 : index
    %get3A_14 = arith.constant 0 : index
    %get3A_15 = vector.load %arg1[%get3A_13, %get3A_14] : memref<16384x128xf32, #tpu.memory_space<vmem>>, vector<4096x128xf32>
    %slice3A_16 = vector.extract_strided_slice %get3A_15 {offsets = [0, 0], sizes = [4096, 64], strides = [1, 1]} : vector<4096x128xf32> to vector<4096x64xf32>
    %dot_general3A_17 = arith.constant dense<0.000000e+00> : vector<4096x64xf32>
    %dot_general3A_18 = tpu.matmul %slice3A_16, %mul3A_3, %dot_general3A_17 {dimension_numbers = #tpu.dot_dimension_numbers<[1], [0], [0], [1], [0, 0, 1, 1], [], []>, transpose_lhs_hint = false} : vector<4096x64xf32>, vector<64x64xf32>, vector<4096x64xf32> -> vector<4096x64xf32>
    %transpose3A_19 = tpu.transpose %dot_general3A_18, [1, 0] : vector<4096x64xf32> -> vector<64x4096xf32>
    %add3A_20 = arith.addf %transpose3A_19, %get3A_6 : vector<64x4096xf32>
    %swap3A_21 = arith.constant 64 : index
    %swap3A_22 = arith.constant 0 : index
    %swap3A_23 = vector.load %arg4[%swap3A_21, %swap3A_22] : memref<256x4096xf32, #tpu.memory_space<vmem>>, vector<64x4096xf32>
    tpu.vector_store %arg4[%swap3A_21, %swap3A_22], %add3A_20 {strides = array<i32>} : memref<256x4096xf32, #tpu.memory_space<vmem>>, vector<64x4096xf32>,
    %get3A_24 = arith.constant 8192 : index
    %get3A_25 = arith.constant 0 : index
    %get3A_26 = vector.load %arg1[%get3A_24, %get3A_25] : memref<16384x128xf32, #tpu.memory_space<vmem>>, vector<4096x128xf32>
    %slice3A_27 = vector.extract_strided_slice %get3A_26 {offsets = [0, 0], sizes = [4096, 64], strides = [1, 1]} : vector<4096x128xf32> to vector<4096x64xf32>
    %dot_general3A_28 = arith.constant dense<0.000000e+00> : vector<4096x64xf32>
    %dot_general3A_29 = tpu.matmul %slice3A_27, %mul3A_3, %dot_general3A_28 {dimension_numbers = #tpu.dot_dimension_numbers<[1], [0], [0], [1], [0, 0, 1, 1], [], []>, transpose_lhs_hint = false} : vector<4096x64xf32>, vector<64x64xf32>, vector<4096x64xf32> -> vector<4096x64xf32>
    %transpose3A_30 = tpu.transpose %dot_general3A_29, [1, 0] : vector<4096x64xf32> -> vector<64x4096xf32>
    %add3A_31 = arith.addf %transpose3A_30, %get3A_6 : vector<64x4096xf32>
    %swap3A_32 = arith.constant 128 : index
    %swap3A_33 = arith.constant 0 : index
    %swap3A_34 = vector.load %arg4[%swap3A_32, %swap3A_33] : memref<256x4096xf32, #tpu.memory_space<vmem>>, vector<64x4096xf32>
    tpu.vector_store %arg4[%swap3A_32, %swap3A_33], %add3A_31 {strides = array<i32>} : memref<256x4096xf32, #tpu.memory_space<vmem>>, vector<64x4096xf32>,
    %get3A_35 = arith.constant 12288 : index
    %get3A_36 = arith.constant 0 : index
    %get3A_37 = vector.load %arg1[%get3A_35, %get3A_36] : memref<16384x128xf32, #tpu.memory_space<vmem>>, vector<4096x128xf32>
    %slice3A_38 = vector.extract_strided_slice %get3A_37 {offsets = [0, 0], sizes = [4096, 64], strides = [1, 1]} : vector<4096x128xf32> to vector<4096x64xf32>
    %dot_general3A_39 = arith.constant dense<0.000000e+00> : vector<4096x64xf32>
    %dot_general3A_40 = tpu.matmul %slice3A_38, %mul3A_3, %dot_general3A_39 {dimension_numbers = #tpu.dot_dimension_numbers<[1], [0], [0], [1], [0, 0, 1, 1], [], []>, transpose_lhs_hint = false} : vector<4096x64xf32>, vector<64x64xf32>, vector<4096x64xf32> -> vector<4096x64xf32>
    %transpose3A_41 = tpu.transpose %dot_general3A_40, [1, 0] : vector<4096x64xf32> -> vector<64x4096xf32>
    %add3A_42 = arith.addf %transpose3A_41, %get3A_6 : vector<64x4096xf32>
    %swap3A_43 = arith.constant 192 : index
    %swap3A_44 = arith.constant 0 : index
    %swap3A_45 = vector.load %arg4[%swap3A_43, %swap3A_44] : memref<256x4096xf32, #tpu.memory_space<vmem>>, vector<64x4096xf32>
    tpu.vector_store %arg4[%swap3A_43, %swap3A_44], %add3A_42 {strides = array<i32>} : memref<256x4096xf32, #tpu.memory_space<vmem>>, vector<64x4096xf32>,
    return
  }
  func.func @transform_0(%arg0: i32) -> (i32, i32) {
    %c0_i32 = arith.constant 0 : i32
    %c0_i32_0 = arith.constant 0 : i32
    return %arg0, %c0_i32 : i32, i32
  }
  func.func @transform_1(%arg0: i32) -> (i32, i32) {
    %c0_i32 = arith.constant 0 : i32
    %c0_i32_0 = arith.constant 0 : i32
    %c0_i32_1 = arith.constant 0 : i32
    return %c0_i32, %c0_i32_0 : i32, i32
  }
  func.func @transform_2(%arg0: i32) -> (i32, i32) {
    %c0_i32 = arith.constant 0 : i32
    %c0_i32_0 = arith.constant 0 : i32
    %c0_i32_1 = arith.constant 0 : i32
    return %c0_i32, %c0_i32_0 : i32, i32
  }
  func.func @transform_3(%arg0: i32) -> (i32, i32) {
    %add3A = arith.constant 0 : i32
    %add3A_0 = arith.addi %arg0, %add3A : i32
    %c0_i32 = arith.constant 0 : i32
    %c0_i32_1 = arith.constant 0 : i32
    return %add3A_0, %c0_i32 : i32, i32
  }
}

</mosaic_0001>

<sc_bundles>
// kernel: kernel.6.cloned.1.call-start
scs
__scs_entry_jumppad:
0x0: {  	(pc) =	sbr.rel $0x88, $3  }
0x1: {  	(tag) =	ssettag $0x0;
	lr =	simm.s32 $0x1  }
0x2: {  	[smem:$0x3F9C] =	sst lr;
	_ =	strace $0xD0000000  }
0x3: {  	_ = 	snop  }
0x4: {  	_ = 	snop  }
0x5: {  	_ = 	snop  }
0x6: {  	_ = 	snop  }
0x7: {  	_ = 	snop  }
__scs_overlays_trampoline_lowered:
0x8: {  	[smem:$0x3FAB] =	sst s0  }
0x9: {  	[smem:$0x3FAC] =	sst s1  }
0xa: {  	[smem:$0x3FAD] =	sst s2  }
0xb: {  	[smem:$0x3FAE] =	sst s3  }
0xc: {  	[smem:$0x3FAF] =	sst s4  }
0xd: {  	[smem:$0x3FB0] =	sst s5  }
0xe: {  	[smem:$0x3FB1] =	sst s6  }
0xf: {  	[smem:$0x3FB2] =	sst s7  }
0x10: {  	[smem:$0x3FB3] =	sst s8  }
0x11: {  	[smem:$0x3FB4] =	sst s9;
	s0 =	simm.s32 @!p0 $0x0  }
0x12: {  	s1 =	sld [smem:$0x3F9A];
	s0 =	simm.s32 @p0 $0x1  }
0x13: {  	[smem:$0x3FB5] =	sst s0;
	s0 =	simm.s32 @!p1 $0x0  }
0x14: {  	s2 =	sld [smem:$0x3F99];
	s0 =	simm.s32 @p1 $0x1  }
0x15: {  	[smem:$0x3FB6] =	sst s0;
	s0 =	simm.s32 @!p2 $0x0  }
0x16: {  	s3 =	sld [smem:$0x3FDB];
	s0 =	simm.s32 @p2 $0x1  }
0x17: {  	s4 =	simm.s32 $0x1BF5;
	[smem:$0x3FB8] =	sst s0  }
0x18: {  	s0 =	sld [smem:$0x3F9B];
	_ =	swait.ge [sflag:s4], $0x0  }
0x19: {  	s7 =	sld [smem:$0x3F9C]  }
0x1a: {  	s8 =	sadd.s32 $0xFFFFE003, lr  }
0x1b: {  	s9 =	sadd.s32 $0xFFFFFEF7, lr;
	s5 =	simm.s32 $0xFFFFFFFF;
	p2 =	slt.u32 s8, $0xFFFFF086  }
0x1c: {  	p1 =	slt.u32 s9, $0xF7A;
	s5 =	simm.s32 @!p2 $0x0  }
0x1d: {  	s5 =	simm.s32 @p1 $0x1;
	p0 =	seq.s32 s7, s2  }
0x1e: {  	s7 =	smul.u32 @!p0 $0xF7A, s2;
	p2 =	seq.s32 @!p0 s5, $0x0  }
0x1f: {  	s9 =	smul.u32 $0xF7A, s1;
	s8 =	simm.s32 @!p0 $0x1BF5;
	p2 =	por !p2, p0  }
0x20: {  	[sflag:s8] =	ssyncset.s32 @!p0 $0xFFFFF086;
	s6 =	sadd.s32 @!p0 s3, s7;
	s7 =	simm.s32 @!p0 $0x108  }
0x21: {  	s3 =	sadd.s32 s3, s9;
	s6 =	sadd.s32 @!p0 $0x88, s6;
	s7 =	simm.s32 @p2 $0x1082  }
0x22: {  	[simem:s7], [sflag:s8] =	dma.local @!p0 [hbm:s6], $0xF7A  }
0x23: {  	s9 =	sor.u32 $0xD0000000, s2;
	s6 =	simm.s32 $0x108;
	_ =	swait.ge @!p0 [sflag:s8], $0x0  }
0x24: {  	s3 =	sadd.s32 $0x88, s3;
	s6 =	simm.s32 @!p1 $0x1082;
	[sflag:s4] =	ssyncset.s32 $0xFFFFF086  }
0x25: {  	[simem:s6], [sflag:s4] =	dma.local [hbm:s3], $0xF7A  }
0x26: {  	[smem:$0x3F9C] =	sst s1;
	(tag) =	ssettag s2;
	_ =	strace s9  }
0x27: {  	s1 =	sld [smem:$0x3FAC]  }
0x28: {  	s2 =	sld [smem:$0x3FAD]  }
0x29: {  	s4 =	sld [smem:$0x3FAF]  }
0x2a: {  	p0 =	seq.s32 s5, $0x0;
	s5 =	sld [smem:$0x3FB0]  }
0x2b: {  	s6 =	sld [smem:$0x3FB1]  }
0x2c: {  	s7 =	sld [smem:$0x3FB2]  }
0x2d: {  	s3 =	simm.s32 $0x108;
	s8 =	sld [smem:$0x3FB3]  }
0x2e: {  	s3 =	simm.s32 @!p0 $0x1082;
	s9 =	sld [smem:$0x3FB4]  }
0x2f: {  	lr =	sadd.s32 s0, s3;
	s0 =	sld [smem:$0x3FAB]  }
0x30: {  	s3 =	sld [smem:$0x3FAE]  }
0x31: {  	[smem:$0x3FB7] =	sst s10  }
0x32: {  	s10 =	sld [smem:$0x3FB5];
	_ =	sdelay $0x3  }
0x33: {  	p0 =	seq.s32 s10, $0x1;
	s10 =	sld [smem:$0x3FB7];
	_ =	sdelay $0x3  }
0x34: {  	[smem:$0x3FB7] =	sst s10  }
0x35: {  	s10 =	sld [smem:$0x3FB6];
	_ =	sdelay $0x3  }
0x36: {  	p1 =	seq.s32 s10, $0x1;
	s10 =	sld [smem:$0x3FB7];
	_ =	sdelay $0x3  }
0x37: {  	[smem:$0x3FB7] =	sst s10  }
0x38: {  	s10 =	sld [smem:$0x3FB8]  }
0x39: {  	_ = 	snop;
	(pc) =	sbr.ind lr, $3  }
0x3a: {  	_ = 	snop  }
0x3b: {  	_ = 	snop  }
0x3c: {  	p2 =	seq.s32 s10, $0x1;
	s10 =	sld [smem:$0x3FB7]  }
0x3d: {  	_ =	shalt  }
0x3e: {  	_ =	shalt  }
0x3f: {  	_ =	shalt  }
0x40: {  	_ =	shalt  }
0x41: {  	_ =	shalt  }
0x42: {  	_ =	shalt  }
0x43: {  	_ =	shalt  }
0x44: {  	_ =	shalt  }
0x45: {  	_ =	shalt  }
0x46: {  	_ =	shalt  }
0x47: {  	_ =	shalt  }
0x48: {  	_ =	shalt  }
0x49: {  	_ =	shalt  }
0x4a: {  	_ =	shalt  }
0x4b: {  	_ =	shalt  }
0x4c: {  	_ =	shalt  }
0x4d: {  	_ =	shalt  }
0x4e: {  	_ =	shalt  }
0x4f: {  	_ =	shalt  }
0x50: {  	_ =	shalt  }
0x51: {  	_ =	shalt  }
0x52: {  	_ =	shalt  }
0x53: {  	_ =	shalt  }
0x54: {  	_ =	shalt  }
0x55: {  	_ =	shalt  }
0x56: {  	_ =	shalt  }
0x57: {  	_ =	shalt  }
0x58: {  	_ =	shalt  }
0x59: {  	_ =	shalt  }
0x5a: {  	_ =	shalt  }
0x5b: {  	_ =	shalt  }
0x5c: {  	_ =	shalt  }
0x5d: {  	_ =	shalt  }
0x5e: {  	_ =	shalt  }
0x5f: {  	_ =	shalt  }
0x60: {  	_ =	shalt  }
0x61: {  	_ =	shalt  }
0x62: {  	_ =	shalt  }
0x63: {  	_ =	shalt  }
0x64: {  	_ =	shalt  }
0x65: {  	_ =	shalt  }
0x66: {  	_ =	shalt  }
0x67: {  	_ =	shalt  }
0x68: {  	_ =	shalt  }
0x69: {  	_ =	shalt  }
0x6a: {  	_ =	shalt  }
0x6b: {  	_ =	shalt  }
0x6c: {  	_ =	shalt  }
0x6d: {  	_ =	shalt  }
0x6e: {  	_ =	shalt  }
0x6f: {  	_ =	shalt  }
0x70: {  	_ =	shalt  }
0x71: {  	_ =	shalt  }
0x72: {  	_ =	shalt  }
0x73: {  	_ =	shalt  }
0x74: {  	_ =	shalt  }
0x75: {  	_ =	shalt  }
0x76: {  	_ =	shalt  }
0x77: {  	_ =	shalt  }
0x78: {  	_ =	shalt  }
0x79: {  	_ =	shalt  }
0x7a: {  	_ =	shalt  }
0x7b: {  	_ =	shalt  }
0x7c: {  	_ =	shalt  }
0x7d: {  	_ =	shalt  }
0x7e: {  	_ =	shalt  }
0x7f: {  	_ =	shalt  }
0x80: {  	_ =	shalt  }
0x81: {  	_ =	shalt  }
0x82: {  	_ =	shalt  }
0x83: {  	_ =	shalt  }
0x84: {  	_ =	shalt  }
0x85: {  	_ =	shalt  }
0x86: {  	_ =	shalt  }
0x87: {  	_ =	shalt  }
.Lfunc_end0:
.L_simem_size_0:
called_computation_lowered:
.L_overlay_start_0:
0x88: {  	s2 =	sld [smem:$0x3FD9]  }
0x89: {  	s3 =	sld [smem:$0x3FFE];
	_ =	sdelay $0x1  }
0x8a: {  	s1 =	srdreg.scid  }
0x8b: {  	s0 =	sand.u32 $0x1, s1  }
0x8c: {  	s17 =	sshll.u32 s0, $0xA;
	s2 =	sadd.s32 s3, s2  }
0x8d: {  	s2 =	sadd.s32 s2, s17  }
0x8e: {  	[smem:$0x3FC3] =	sst s2  }
0x8f: {  	_ = 	snop  }
0x90: {  	s2 =	sld [smem:$0x3FD0];
	(tm) =	ssettm $0x1  }
0x91: {  	s18 =	sld [smem:$0x3FFB];
	_ =	sdelay $0x3  }
0x92: {  	_ =	strace s18  }
0x93: {  	s3 =	sld [smem:$0x3FFC];
	_ =	sdelay $0x3  }
0x94: {  	_ =	strace s3  }
0x95: {  	s3 =	sld [smem:$0x3FFD];
	_ =	sdelay $0x3  }
0x96: {  	_ =	strace s3  }
0x97: {  	_ =	strace $0x8FFFFFFF  }
0x98: {  	s19 =	sld [smem:$0x3FDB];
	_ =	sdelay $0x1  }
0x99: {  	s4 =	simm.s32 $_scs_section_size  }
0x9a: {  	s5 =	simm.s32 $_size__tile_overlayer_lowered;
	s6 =	simm.s32 $_tile_overlayer_lowered  }
0x9b: {  	s22 =	simm.s32 $0x1BFF;
	s21 =	sshll.u32 s6, $0x1;
	s3 =	sadd.s32 s4, s19  }
0x9c: {  	s7 =	simm.s32 $0x0;
	s20 =	sshll.u32 s5, $0x1;
	s5 =	sadd.s32 s21, s3  }
0x9d: {  	[timem:s7], [sflag:s22] =	dma.local [hbm:s5], s20  }
0x9e: {  	_ =	swait.ge [sflag:s22], s20  }
0x9f: {  	s4 =	ssub.s32 $0x0, s20;
	[sflag:s22] =	ssyncset.done $0x0  }
0xa0: {  	[sflag:s22] =	ssyncadd.s32 s4;
	_ =	sdelay $0x1  }
0xa1: {  	s23 =	simm.s32 $0x1B8B  }
0xa2: {  	_ =	swait.ge [sflag:s23], $0x1  }
0xa3: {  	[sflag:s23] =	ssyncset.done $0x0  }
0xa4: {  	s25 =	simm.s32 $0x1B8E;
	s24 =	sld [smem:$0x3FFE];
	[sflag:s23] =	ssyncadd.s32 $0xFFFFFFFF  }
0xa5: {  	s26 =	simm.s32 $execute0_lowered;
	[smem:$0x3FD2] =	sst s25  }
0xa6: {  	s5 =	sshll.u32 s26, $0x1;
	_ =	strace $0x80000046;
	[dreg:$0x1] =	wrdreg $0xFFFFFFFF  }
0xa7: {  	s28 =	simm.s32 $_size_execute0_lowered;
	s3 =	sadd.s32 s3, s5;
	[dreg:$0x0] =	wrdreg $0x0  }
0xa8: {  	s5 =	sshll.u32 s28, $0x1;
	[dreg:$0x2] =	wrdreg s3  }
0xa9: {  	[dreg:$0x3] =	wrdreg s5  }
0xaa: {  	[dreg:$0x4] =	wrdreg $0xC0  }
0xab: {  	_ =	task [dreg:s7], $0x5FFFF  }
0xac: {  	[dreg:$0x1] =	wrdreg $0xFFFFFFFF  }
0xad: {  	[dreg:$0x0] =	wrdreg $0x60  }
0xae: {  	[dreg:$0x2] =	wrdreg s2  }
0xaf: {  	[dreg:$0x3] =	wrdreg s24  }
0xb0: {  	[dreg:$0x4] =	wrdreg $0x9  }
0xb1: {  	_ =	task.clear_ibuf [dreg:s7], $0x5FFFF;
	_ =	strace $0x90000046  }
0xb2: {  	s29 =	simm.s32 $0x9;
	_ =	strace $0x80000048  }
0xb3: {  	_ =	swait.ge [sflag:s29], $0x1  }
0xb4: {  	[sflag:s29] =	ssyncadd.s32 $0xFFFFFFFF  }
0xb5: {  	_ =	strace $0x90000048  }
0xb6: {  	_ =	sfence  }
0xb7: {  	s30 =	sld [smem:$0x0];
	_ =	sdelay $0x2  }
0xb8: {  	s31 =	sshll.u32 s1, $0xD;
	s1 =	sshrl.u32 s1, $0x2  }
0xb9: {  	s3 =	sand.u32 $0x4000, s31;
	s1 =	sadd.s32 s1, s30  }
0xba: {  	s0 =	sor.u32 s3, s0;
	s1 =	sshll.u32 s1, $0x11  }
0xbb: {  	s0 =	sor.u32 s1, s0  }
0xbc: {  	s0 =	sadd.s32 $0x8F2B, s0  }
0xbd: {  	[sflag:s0] =	ssyncadd.remote.s32 $0x1  }
0xbe: {  	_ =	sfence.sel $0xFFFF  }
0xbf: {  	[dreg:$0x0] =	wrdreg $0xFFFFFFFF;
	(pc) =	sbr.abs _section_cstart, $3  }
0xc0: {  	[dreg:$0x1] =	wrdreg $0xFFFFFFFF  }
0xc1: {  	_ =	task.clear_ibuf [dreg:s7], $0x2FFFF;
	_ =	strace $0x9FFFFFFF  }
0xc2: {  	(tm) =	ssettm $0x7FFFFFFF  }
0xc3: {  	_ =	shalt  }
tec
execute0_lowered:
.L_overlay_start_1:
0x0: {  	(tag) =	ssettag $0x1  }
0x1: {  	s6 =	rddreg [dreg:$0x0];
	s1 =	srdreg.scid  }
0x2: {  	s0 =	stileid.u32;
	s4 =	rddreg [dreg:$0x1];
	s2 =	simm.s32 $0x0  }
0x3: {  	s11 =	simm.s32 $0x100;
	s12 =	simm.s32 $0x4400;
	s13 =	simm.s32 $0x180  }
0x4: {  	s14 =	simm.s32 $0x6400;
	s15 =	simm.s32 $0x200;
	s16 =	simm.s32 $0x8400  }
0x5: {  	s17 =	simm.s32 $0x280;
	s18 =	simm.s32 $0xA400;
	s19 =	simm.s32 $0x300  }
0x6: {  	s20 =	simm.s32 $0xC400;
	s21 =	simm.s32 $0x380;
	s22 =	simm.s32 $0xE400  }
0x7: {  	s23 =	simm.s32 $0x1;
	s24 =	simm.s32 $0x40;
	s5 =	smul.u32 $0x640000, s0  }
0x8: {  	s3 =	sand.u32 $0x1, s1;
	s1 =	rddreg [dreg:$0x2];
	s8 =	smul.u32 $0xC800, s0  }
0x9: {  	s25 =	simm.s32 $0x0;
	[smem:$0x7FF] =	sst s2;
	s7 =	smul.u32 $0x320000, s3  }
0xa: {  	_ =	strace $0x80000047;
	s9 =	ssub.s32 $0x2, s3;
	s10 =	smul.u32 $0x6400, s3  }
0xb: {  	s3 =	sadd.s32 $0xC00, s4;
	s30 =	sshrl.u32 s9, $0x1;
	s5 =	sadd.s32 s7, s5  }
0xc: {  	s7 =	ssub.s32 s9, s30;
	s8 =	sadd.s32 s10, s8;
	s9 =	simm.s32 $0x400  }
0xd: {  	s10 =	simm.s32 $0x2400;
	s5 =	sshrl.u32 s5, $0x3;
	s31 =	sshrl.u32 s8, $0x3  }
0xe: {  	s8 =	simm.s32 $0x80;
	s5 =	sadd.s32 s5, s4;
	s4 =	smax.u32 s7, $0x1  }
0xf: {  	s6 =	sadd.s32 s31, s6;
	s7 =	simm.s32 $0x2;
	s5 =	sadd.s32 $0x7A1E00, s5  }
.LBB2_1:
0x10: {  	s26 =	sadd.s32 $0x0, s6  }
0x11: {  	[tilespmem:s2], [sflag:$0x2] =	stream.linear.gather [hbm4b:s26+s2], $0x400, $0x38;
	[tilespmem:$0x10400] =	vst v63  }
0x12: {  	_ =	swait.ge [sflag:s7], $0x400  }
0x13: {  	[sflag:s7] =	ssyncset.done $0x0  }
0x14: {  	[sflag:s7] =	ssyncadd.s32 $0xFFFFFC00  }
0x15: {  	[tilespmem:s9], [sflag:$0x1] =	stream.indirect.gather [hbm4b:s3+s8], $0x40, s2, s8, $0xb8;
	[tilespmem:$0x10400] =	vst v63  }
0x16: {  	_ = 	snop  }
0x17: {  	[tilespmem:s10], [sflag:$0x1] =	stream.indirect.gather [hbm4b:s3+s8], $0x40, s8, s8, $0xb8;
	[tilespmem:$0x10400] =	vst v63  }
0x18: {  	_ = 	snop  }
0x19: {  	[tilespmem:s12], [sflag:$0x1] =	stream.indirect.gather [hbm4b:s3+s8], $0x40, s11, s8, $0xb8;
	[tilespmem:$0x10400] =	vst v63  }
0x1a: {  	_ = 	snop  }
0x1b: {  	[tilespmem:s14], [sflag:$0x1] =	stream.indirect.gather [hbm4b:s3+s8], $0x40, s13, s8, $0xb8;
	[tilespmem:$0x10400] =	vst v63  }
0x1c: {  	_ = 	snop  }
0x1d: {  	[tilespmem:s16], [sflag:$0x1] =	stream.indirect.gather [hbm4b:s3+s8], $0x40, s15, s8, $0xb8;
	[tilespmem:$0x10400] =	vst v63  }
0x1e: {  	_ = 	snop  }
0x1f: {  	[tilespmem:s18], [sflag:$0x1] =	stream.indirect.gather [hbm4b:s3+s8], $0x40, s17, s8, $0xb8;
	[tilespmem:$0x10400] =	vst v63  }
0x20: {  	_ = 	snop  }
0x21: {  	[tilespmem:s20], [sflag:$0x1] =	stream.indirect.gather [hbm4b:s3+s8], $0x40, s19, s8, $0xb8;
	[tilespmem:$0x10400] =	vst v63  }
0x22: {  	_ = 	snop  }
0x23: {  	[tilespmem:s22], [sflag:$0x1] =	stream.indirect.gather [hbm4b:s3+s8], $0x40, s21, s8, $0xb8;
	[tilespmem:$0x10400] =	vst v63  }
0x24: {  	_ =	swait.ge [sflag:s23], $0x2000  }
0x25: {  	[sflag:s23] =	ssyncset.done $0x0  }
0x26: {  	[sflag:s23] =	ssyncadd.s32 $0xFFFFE000  }
0x27: {  	_ =	swait.ge [sflag:s23], $0x2000  }
0x28: {  	[sflag:s23] =	ssyncset.done $0x0  }
0x29: {  	[sflag:s23] =	ssyncadd.s32 $0xFFFFE000  }
0x2a: {  	_ =	swait.ge [sflag:s23], $0x2000  }
0x2b: {  	[sflag:s23] =	ssyncset.done $0x0  }
0x2c: {  	[sflag:s23] =	ssyncadd.s32 $0xFFFFE000  }
0x2d: {  	_ =	swait.ge [sflag:s23], $0x2000  }
0x2e: {  	[sflag:s23] =	ssyncset.done $0x0  }
0x2f: {  	[sflag:s23] =	ssyncadd.s32 $0xFFFFE000  }
0x30: {  	_ =	swait.ge [sflag:s23], $0x2000  }
0x31: {  	[sflag:s23] =	ssyncset.done $0x0  }
0x32: {  	[sflag:s23] =	ssyncadd.s32 $0xFFFFE000  }
0x33: {  	_ =	swait.ge [sflag:s23], $0x2000  }
0x34: {  	[sflag:s23] =	ssyncset.done $0x0  }
0x35: {  	[sflag:s23] =	ssyncadd.s32 $0xFFFFE000  }
0x36: {  	_ =	swait.ge [sflag:s23], $0x2000  }
0x37: {  	[sflag:s23] =	ssyncset.done $0x0  }
0x38: {  	[sflag:s23] =	ssyncadd.s32 $0xFFFFE000  }
0x39: {  	_ =	swait.ge [sflag:s23], $0x2000  }
0x3a: {  	[sflag:s23] =	ssyncset.done $0x0  }
0x3b: {  	[sflag:s23] =	ssyncadd.s32 $0xFFFFE000  }
0x3c: {  	[hbm4b:s5+s24] =	stream.strided.scatter [tilespmem:s9], [sflag:$0x2], $0x10000, s8, s24, $0x38;
	[tilespmem:$0x10400] =	vst v63  }
0x3d: {  	s28 =	simm.s32 $0x80;
	_ =	swait.ge [sflag:s7], $0x10000  }
0x3e: {  	s30 =	simm.s32 $0x100;
	s26 =	sadd.s32 $0x4000, s5;
	[sflag:s7] =	ssyncset.done $0x0  }
.LBB2_2:
0x3f: {  	s31 =	sadd.s32 s28, s6  }
0x40: {  	[sflag:s7] =	ssyncadd.s32 $0xFFFF0000;
	s28 =	smov.u32 s30;
	s29 =	sadd.s32 $0x80, s30  }
0x41: {  	[tilespmem:s2], [sflag:$0x2] =	stream.linear.gather [hbm4b:s31+s2], $0x400, $0x38;
	[tilespmem:$0x10400] =	vst v63  }
0x42: {  	p0 =	sne.s32 s30, $0xC00;
	_ =	swait.ge [sflag:s7], $0x400  }
0x43: {  	[sflag:s7] =	ssyncset.done $0x0  }
0x44: {  	[sflag:s7] =	ssyncadd.s32 $0xFFFFFC00  }
0x45: {  	[tilespmem:s9], [sflag:$0x1] =	stream.indirect.gather [hbm4b:s3+s8], $0x40, s2, s8, $0xb8;
	[tilespmem:$0x10400] =	vst v63  }
0x46: {  	_ = 	snop  }
0x47: {  	[tilespmem:s10], [sflag:$0x1] =	stream.indirect.gather [hbm4b:s3+s8], $0x40, s8, s8, $0xb8;
	[tilespmem:$0x10400] =	vst v63  }
0x48: {  	_ = 	snop  }
0x49: {  	[tilespmem:s12], [sflag:$0x1] =	stream.indirect.gather [hbm4b:s3+s8], $0x40, s11, s8, $0xb8;
	[tilespmem:$0x10400] =	vst v63  }
0x4a: {  	_ = 	snop  }
0x4b: {  	[tilespmem:s14], [sflag:$0x1] =	stream.indirect.gather [hbm4b:s3+s8], $0x40, s13, s8, $0xb8;
	[tilespmem:$0x10400] =	vst v63  }
0x4c: {  	_ = 	snop  }
0x4d: {  	[tilespmem:s16], [sflag:$0x1] =	stream.indirect.gather [hbm4b:s3+s8], $0x40, s15, s8, $0xb8;
	[tilespmem:$0x10400] =	vst v63  }
0x4e: {  	_ = 	snop  }
0x4f: {  	[tilespmem:s18], [sflag:$0x1] =	stream.indirect.gather [hbm4b:s3+s8], $0x40, s17, s8, $0xb8;
	[tilespmem:$0x10400] =	vst v63  }
0x50: {  	_ = 	snop  }
0x51: {  	[tilespmem:s20], [sflag:$0x1] =	stream.indirect.gather [hbm4b:s3+s8], $0x40, s19, s8, $0xb8;
	[tilespmem:$0x10400] =	vst v63  }
0x52: {  	_ = 	snop  }
0x53: {  	[tilespmem:s22], [sflag:$0x1] =	stream.indirect.gather [hbm4b:s3+s8], $0x40, s21, s8, $0xb8;
	[tilespmem:$0x10400] =	vst v63  }
0x54: {  	_ =	swait.ge [sflag:s23], $0x2000  }
0x55: {  	[sflag:s23] =	ssyncset.done $0x0  }
0x56: {  	[sflag:s23] =	ssyncadd.s32 $0xFFFFE000  }
0x57: {  	_ =	swait.ge [sflag:s23], $0x2000  }
0x58: {  	[sflag:s23] =	ssyncset.done $0x0  }
0x59: {  	[sflag:s23] =	ssyncadd.s32 $0xFFFFE000  }
0x5a: {  	_ =	swait.ge [sflag:s23], $0x2000  }
0x5b: {  	[sflag:s23] =	ssyncset.done $0x0  }
0x5c: {  	[sflag:s23] =	ssyncadd.s32 $0xFFFFE000  }
0x5d: {  	_ =	swait.ge [sflag:s23], $0x2000  }
0x5e: {  	[sflag:s23] =	ssyncset.done $0x0  }
0x5f: {  	[sflag:s23] =	ssyncadd.s32 $0xFFFFE000  }
0x60: {  	_ =	swait.ge [sflag:s23], $0x2000  }
0x61: {  	[sflag:s23] =	ssyncset.done $0x0  }
0x62: {  	[sflag:s23] =	ssyncadd.s32 $0xFFFFE000  }
0x63: {  	_ =	swait.ge [sflag:s23], $0x2000  }
0x64: {  	[sflag:s23] =	ssyncset.done $0x0  }
0x65: {  	[sflag:s23] =	ssyncadd.s32 $0xFFFFE000  }
0x66: {  	_ =	swait.ge [sflag:s23], $0x2000  }
0x67: {  	[sflag:s23] =	ssyncset.done $0x0  }
0x68: {  	[sflag:s23] =	ssyncadd.s32 $0xFFFFE000  }
0x69: {  	_ =	swait.ge [sflag:s23], $0x2000  }
.Ltmp0:
0x6a: {  	[sflag:s23] =	ssyncset.done $0x0;
	(pc) =	sbr.rel @p0 .LBB2_2-.Ltmp0, $4  }
0x6b: {  	[sflag:s23] =	ssyncadd.s32 $0xFFFFE000  }
0x6c: {  	[hbm4b:s26+s24] =	stream.strided.scatter [tilespmem:s9], [sflag:$0x2], $0x10000, s8, s24, $0x38;
	[tilespmem:$0x10400] =	vst v63  }
0x6d: {  	_ =	swait.ge [sflag:s7], $0x10000  }
0x6e: {  	s30 =	smov.u32 s29;
	s26 =	sadd.s32 $0x4000, s26;
	[sflag:s7] =	ssyncset.done $0x0  }
0x6f: {  	s28 =	sadd.s32 s28, s6;
	[sflag:s7] =	ssyncadd.s32 $0xFFFF0000  }
0x70: {  	[tilespmem:s2], [sflag:$0x2] =	stream.linear.gather [hbm4b:s28+s2], $0x400, $0x38;
	[tilespmem:$0x10400] =	vst v63  }
0x71: {  	_ =	swait.ge [sflag:s7], $0x400  }
0x72: {  	[sflag:s7] =	ssyncset.done $0x0  }
0x73: {  	[sflag:s7] =	ssyncadd.s32 $0xFFFFFC00  }
0x74: {  	[tilespmem:s9], [sflag:$0x1] =	stream.indirect.gather [hbm4b:s3+s8], $0x40, s2, s8, $0xb8;
	[tilespmem:$0x10400] =	vst v63  }
0x75: {  	_ = 	snop  }
0x76: {  	[tilespmem:s10], [sflag:$0x1] =	stream.indirect.gather [hbm4b:s3+s8], $0x40, s8, s8, $0xb8;
	[tilespmem:$0x10400] =	vst v63  }
0x77: {  	_ = 	snop  }
0x78: {  	[tilespmem:s12], [sflag:$0x1] =	stream.indirect.gather [hbm4b:s3+s8], $0x40, s11, s8, $0xb8;
	[tilespmem:$0x10400] =	vst v63  }
0x79: {  	_ = 	snop  }
0x7a: {  	[tilespmem:s14], [sflag:$0x1] =	stream.indirect.gather [hbm4b:s3+s8], $0x40, s13, s8, $0xb8;
	[tilespmem:$0x10400] =	vst v63  }
0x7b: {  	_ = 	snop  }
0x7c: {  	[tilespmem:s16], [sflag:$0x1] =	stream.indirect.gather [hbm4b:s3+s8], $0x40, s15, s8, $0xb8;
	[tilespmem:$0x10400] =	vst v63  }
0x7d: {  	_ = 	snop  }
0x7e: {  	[tilespmem:s18], [sflag:$0x1] =	stream.indirect.gather [hbm4b:s3+s8], $0x40, s17, s8, $0xb8;
	[tilespmem:$0x10400] =	vst v63  }
0x7f: {  	_ = 	snop  }
0x80: {  	[tilespmem:s20], [sflag:$0x1] =	stream.indirect.gather [hbm4b:s3+s8], $0x40, s19, s8, $0xb8;
	[tilespmem:$0x10400] =	vst v63  }
0x81: {  	_ = 	snop  }
0x82: {  	[tilespmem:s22], [sflag:$0x1] =	stream.indirect.gather [hbm4b:s3+s8], $0x40, s21, s8, $0xb8;
	[tilespmem:$0x10400] =	vst v63  }
0x83: {  	_ =	swait.ge [sflag:s23], $0x2000  }
0x84: {  	[sflag:s23] =	ssyncset.done $0x0  }
0x85: {  	[sflag:s23] =	ssyncadd.s32 $0xFFFFE000  }
0x86: {  	_ =	swait.ge [sflag:s23], $0x2000  }
0x87: {  	[sflag:s23] =	ssyncset.done $0x0  }
0x88: {  	[sflag:s23] =	ssyncadd.s32 $0xFFFFE000  }
0x89: {  	_ =	swait.ge [sflag:s23], $0x2000  }
0x8a: {  	[sflag:s23] =	ssyncset.done $0x0  }
0x8b: {  	[sflag:s23] =	ssyncadd.s32 $0xFFFFE000  }
0x8c: {  	_ =	swait.ge [sflag:s23], $0x2000  }
0x8d: {  	[sflag:s23] =	ssyncset.done $0x0  }
0x8e: {  	[sflag:s23] =	ssyncadd.s32 $0xFFFFE000  }
0x8f: {  	_ =	swait.ge [sflag:s23], $0x2000  }
0x90: {  	[sflag:s23] =	ssyncset.done $0x0  }
0x91: {  	[sflag:s23] =	ssyncadd.s32 $0xFFFFE000  }
0x92: {  	_ =	swait.ge [sflag:s23], $0x2000  }
0x93: {  	[sflag:s23] =	ssyncset.done $0x0  }
0x94: {  	[sflag:s23] =	ssyncadd.s32 $0xFFFFE000  }
0x95: {  	_ =	swait.ge [sflag:s23], $0x2000  }
0x96: {  	[sflag:s23] =	ssyncset.done $0x0  }
0x97: {  	[sflag:s23] =	ssyncadd.s32 $0xFFFFE000  }
0x98: {  	s25 =	sadd.s32 $0x1, s25;
	_ =	swait.ge [sflag:s23], $0x2000  }
0x99: {  	p0 =	sne.s32 s25, s4;
	[sflag:s23] =	ssyncset.done $0x0  }
.Ltmp1:
0x9a: {  	[sflag:s23] =	ssyncadd.s32 $0xFFFFE000;
	(pc) =	sbr.rel @p0 .LBB2_1-.Ltmp1, $4  }
0x9b: {  	[hbm4b:s26+s24] =	stream.strided.scatter [tilespmem:s9], [sflag:$0x2], $0x10000, s8, s24, $0x38;
	[tilespmem:$0x10400] =	vst v63  }
0x9c: {  	_ =	swait.ge [sflag:s7], $0x10000  }
0x9d: {  	[sflag:s7] =	ssyncset.done $0x0  }
0x9e: {  	[sflag:s7] =	ssyncadd.s32 $0xFFFF0000  }
0x9f: {  	_ =	sfence.sel $0x180000  }
0xa0: {  	[bflag:$0x0] =	sbarrier.arrive $0xFFFF  }
0xa1: {  	p0 =	sne.s32 s0, $0x0;
	_ =	strace $0x90000047  }
0xa2: {  	s0 =	sadd.s32 @!p0 $0x100000, s1;
	[bflag:$0x2] =	sbarrier.arrive $0xFFFF  }
0xa3: {  	[sflag:s0] =	ssyncadd.tile.s32 @!p0 $0x1;
	_ =	shalt  }
.Lfunc_end2:
_tile_overlayer_lowered:
.L_overlay_start_2:
0xa4: {  	(tag) =	ssettag $0x2  }
0xa5: {  	s0 =	rddreg [dreg:$0x0];
	s2 =	stileid.u32  }
0xa6: {  	s1 =	rddreg [dreg:$0x1];
	p0 =	sne.s32 s2, $0x0  }
0xa7: {  	s3 =	rddreg [dreg:$0x2];
	[bflag:$0x3] =	sbarrier.arrive $0xFFFF;
	s2 =	simm.s32 @!p0 $0x1C02  }
0xa8: {  	[timem:s3], [sflag:s2] =	dma.local @!p0 [hbm:s0], s1  }
0xa9: {  	s0 =	simm.s32 @!p0 $0x2  }
0xaa: {  	_ =	swait.ge @!p0 [sflag:s0], s1  }
0xab: {  	s1 =	ssub.s32 @!p0 $0x0, s1;
	[sflag:s0] =	ssyncset.done @!p0 $0x0  }
0xac: {  	[sflag:s0] =	ssyncadd.s32 @!p0 s1  }
0xad: {  	[bflag:$0x3] =	sbarrier.arrive $0xFFFF  }
0xae: {  	_ =	shalt  }

</sc_bundles>
